<compile_context>
chip_gen: v7x
topology: tpu7x:2x2x1
jax: 0.10.2.dev20260603
libtpu: 0.0.44.dev20260713+nightly
codegen_flags: <defaults>
</compile_context>

<pallas_src>
import jax
import jax.numpy as jnp
from jax import lax
from jax.experimental import pallas as pl
from jax.experimental.pallas import tpu as pltpu
from jax.experimental.pallas import tpu_sc as plsc

_B, _N, _F = 1024, 20, 19
_V = 101
_C = 128
_NW = 32
_PER_W = _B // _NW
_ROWS_W = _PER_W * _N
_NN = _N * _N
_BB = 32


def _sc_gather_body(idx_hbm, emb_hbm, g_hbm, idxs_v, rows_v, gsem, osem):
    wid = lax.axis_index("s") * 2 + lax.axis_index("c")
    base = wid * _ROWS_W

    pltpu.make_async_copy(
        idx_hbm.at[pl.ds(base, _ROWS_W)], idxs_v, gsem).start()
    pltpu.make_async_copy(
        idx_hbm.at[pl.ds(base, _ROWS_W)], idxs_v, gsem).wait()

    pltpu.make_async_copy(emb_hbm.at[idxs_v], rows_v, gsem).start()
    pltpu.make_async_copy(emb_hbm.at[idxs_v], rows_v, gsem).wait()

    pltpu.make_async_copy(rows_v, g_hbm.at[pl.ds(base, _ROWS_W)], osem).start()
    pltpu.make_async_copy(rows_v, g_hbm.at[pl.ds(base, _ROWS_W)], osem).wait()


def _diag_expand_kernel(g_ref, out_ref):
    n_iota = lax.broadcasted_iota(jnp.int32, (_N, _NN), 0)
    j_iota = lax.broadcasted_iota(jnp.int32, (_N, _NN), 1)
    sel = (j_iota == (_N + 1) * n_iota).astype(jnp.float32)
    for b in range(_BB):
        gb = g_ref[pl.ds(b * _N, _N), :]
        out_ref[b] = lax.dot_general(
            gb, sel, (((0,), (0,)), ((), ())),
            preferred_element_type=jnp.float32)


def kernel(batch_node_attr, emb_table):
    idx = batch_node_attr[:, :, 0].astype(jnp.int32).reshape(_B * _N)

    gather = pl.kernel(
        _sc_gather_body,
        out_type=jax.ShapeDtypeStruct((_B * _N, _C), jnp.float32),
        mesh=plsc.VectorSubcoreMesh(core_axis_name="c", subcore_axis_name="s"),
        compiler_params=pltpu.CompilerParams(needs_layout_passes=False),
        scratch_types=[
            pltpu.VMEM((_ROWS_W,), jnp.int32),
            pltpu.VMEM((_ROWS_W, _C), jnp.float32),
            pltpu.SemaphoreType.DMA,
            pltpu.SemaphoreType.DMA,
        ],
    )
    g = gather(idx, emb_table)

    out = pl.pallas_call(
        _diag_expand_kernel,
        grid=(_B // _BB,),
        in_specs=[
            pl.BlockSpec((_BB * _N, _C), lambda i: (i, 0)),
        ],
        out_specs=pl.BlockSpec((_BB, _C, _NN), lambda i: (i, 0, 0)),
        out_shape=jax.ShapeDtypeStruct((_B, _C, _NN), jnp.float32),
    )(g)
    return out.reshape(_B, _C, _N, _N)

# --- scband reference (transcript-rebuilt; emitter-appended) ---
"""Pipeline reference for scband-qm9-node-encoder-78108275245300 (READ-ONLY COPY).

The authoritative reference and input builder live on the scoring server;
editing this copy changes nothing except your own understanding.
"""

import jax, jax.numpy as jnp
import numpy as np

B, N, F = 1024, 20, 19
NUM_TYPES = 100
OUT_CHANNELS = 128
PADDING_IDX = 0


def setup_inputs(seed: int = 0) -> dict:
    key = jax.random.key(seed)
    k1, k2 = jax.random.split(key)
    batch_node_attr = jax.random.randint(k1, (B, N, F), 0, NUM_TYPES + 1)
    emb_table = jax.random.normal(k2, (NUM_TYPES + 1, OUT_CHANNELS), dtype=jnp.float32)
    # padding_idx row is zero, as in torch nn.Embedding(padding_idx=0)
    emb_table = emb_table.at[PADDING_IDX].set(0.0)
    return {"batch_node_attr": batch_node_attr, "emb_table": emb_table}


def reference(batch_node_attr, emb_table):
    Bv, Nv, _ = batch_node_attr.shape
    # node_h = self.emb(batch_node_attr[:, :, 0].flatten())  -- embedding gather
    idx = batch_node_attr[:, :, 0].reshape(-1)
    node_h = jnp.take(emb_table, idx, axis=0)              # [B*N, C]
    batch_node_h = node_h.reshape(Bv, Nv, -1)              # [B, N, C]
    batch_node_h = jnp.transpose(batch_node_h, (0, 2, 1))  # [B, C, N]
    # torch.diag_embed: place last-dim vector on the diagonal of a new [N, N] matrix
    eye = jnp.eye(Nv, dtype=batch_node_h.dtype)
    batch_full_node_h = batch_node_h[..., :, None] * eye   # [B, C, N, N]
    return batch_full_node_h

if __name__ == "__main__":
    import jax
    _d = setup_inputs()
    print(jax.jit(kernel)(*tuple(_d.values())))

</pallas_src>

<mosaic_0001>
#map = affine_map<(d0, d1) -> (0)>
#map1 = affine_map<(d0, d1) -> (0, 0)>
module attributes {stable_mosaic.version = 14 : i64} {
  func.func @_sc_gather_body(%arg0: i32, %arg1: i32, %arg2: memref<20480xi32, #tpu.memory_space<hbm>>, %arg3: memref<101x128xf32, #tpu.memory_space<hbm>>, %arg4: memref<20480x128xf32, #tpu.memory_space<hbm>>, %arg5: memref<640xi32, #tpu.memory_space<vmem>>, %arg6: memref<640x128xf32, #tpu.memory_space<vmem>>, %arg7: memref<!tpu.dma_semaphore, #tpu.memory_space<semaphore_mem>>, %arg8: memref<!tpu.dma_semaphore, #tpu.memory_space<semaphore_mem>>) attributes {dimension_semantics = [#tpu.dimension_semantics<core_parallel>, #tpu.dimension_semantics<subcore_parallel>], iteration_bounds = array<i64: 2, 16>, scalar_prefetch = 0 : i64, scratch_operands = 4 : i64, tpu.core_type = #tpu.core_type<sc_vector_subcore>, window_params = [{transform_indices = #map}, {transform_indices = #map1}, {transform_indices = #map1}]} {
    %mul3A = arith.constant 2 : i32
    %mul3A_0 = arith.muli %arg1, %mul3A : i32
    %add3A = arith.addi %mul3A_0, %arg0 : i32
    %mul3A_1 = arith.constant 640 : i32
    %mul3A_2 = arith.muli %add3A, %mul3A_1 : i32
    %dma_start3A = tpu.memref_slice %arg2[%mul3A_2] : memref<20480xi32, #tpu.memory_space<hbm>> -> memref<640xi32, #tpu.memory_space<hbm>>
    %dma_start3A_3 = tpu.memref_slice %arg2[%mul3A_2] : memref<20480xi32, #tpu.memory_space<hbm>> -> memref<640xi32, #tpu.memory_space<hbm>>
    tpu.enqueue_dma source(%dma_start3A_3 : memref<640xi32, #tpu.memory_space<hbm>>) target(%arg5 : memref<640xi32, #tpu.memory_space<vmem>>) target_semaphore(%arg7 : memref<!tpu.dma_semaphore, #tpu.memory_space<semaphore_mem>>)
    %dma_wait3A = tpu.memref_slice %arg2[%mul3A_2] : memref<20480xi32, #tpu.memory_space<hbm>> -> memref<640xi32, #tpu.memory_space<hbm>>
    %dma_wait3A_4 = tpu.memref_slice %arg2[%mul3A_2] : memref<20480xi32, #tpu.memory_space<hbm>> -> memref<640xi32, #tpu.memory_space<hbm>>
    tpu.wait_dma2 semaphore(%arg7 : memref<!tpu.dma_semaphore, #tpu.memory_space<semaphore_mem>>) src(%dma_wait3A_4 : memref<640xi32, #tpu.memory_space<hbm>>) dst(%arg5 : memref<640xi32, #tpu.memory_space<vmem>>)
    %dma_start3A_5 = arith.constant 0 : i32
    %dma_start3A_6 = arith.constant 0 : i32
    %dma_start3A_7 = tpu.memref_slice %arg3[%dma_start3A_5, %dma_start3A_6] : memref<101x128xf32, #tpu.memory_space<hbm>> -> memref<101x128xf32, #tpu.memory_space<hbm>>
    tpu.enqueue_indirect_dma source(%dma_start3A_7 : memref<101x128xf32, #tpu.memory_space<hbm>>) target(%arg6 : memref<640x128xf32, #tpu.memory_space<vmem>>) offsets(%arg5 : memref<640xi32, #tpu.memory_space<vmem>>) semaphore(%arg7 : memref<!tpu.dma_semaphore, #tpu.memory_space<semaphore_mem>>)
    %dma_wait3A_8 = arith.constant 0 : i32
    %dma_wait3A_9 = arith.constant 0 : i32
    %dma_wait3A_10 = tpu.memref_slice %arg3[%dma_wait3A_8, %dma_wait3A_9] : memref<101x128xf32, #tpu.memory_space<hbm>> -> memref<101x128xf32, #tpu.memory_space<hbm>>
    tpu.wait_indirect_dma semaphore(%arg7 : memref<!tpu.dma_semaphore, #tpu.memory_space<semaphore_mem>>) src(%dma_wait3A_10 : memref<101x128xf32, #tpu.memory_space<hbm>>) dst(%arg6 : memref<640x128xf32, #tpu.memory_space<vmem>>)
    %dma_start3A_11 = arith.constant 0 : i32
    %dma_start3A_12 = tpu.memref_slice %arg4[%mul3A_2, %dma_start3A_11] : memref<20480x128xf32, #tpu.memory_space<hbm>> -> memref<640x128xf32, #tpu.memory_space<hbm>>
    %dma_start3A_13 = arith.constant 0 : i32
    %dma_start3A_14 = tpu.memref_slice %arg4[%mul3A_2, %dma_start3A_13] : memref<20480x128xf32, #tpu.memory_space<hbm>> -> memref<640x128xf32, #tpu.memory_space<hbm>>
    tpu.enqueue_dma source(%arg6 : memref<640x128xf32, #tpu.memory_space<vmem>>) target(%dma_start3A_14 : memref<640x128xf32, #tpu.memory_space<hbm>>) target_semaphore(%arg8 : memref<!tpu.dma_semaphore, #tpu.memory_space<semaphore_mem>>)
    %dma_wait3A_15 = arith.constant 0 : i32
    %dma_wait3A_16 = tpu.memref_slice %arg4[%mul3A_2, %dma_wait3A_15] : memref<20480x128xf32, #tpu.memory_space<hbm>> -> memref<640x128xf32, #tpu.memory_space<hbm>>
    %dma_wait3A_17 = arith.constant 0 : i32
    %dma_wait3A_18 = tpu.memref_slice %arg4[%mul3A_2, %dma_wait3A_17] : memref<20480x128xf32, #tpu.memory_space<hbm>> -> memref<640x128xf32, #tpu.memory_space<hbm>>
    tpu.wait_dma2 semaphore(%arg8 : memref<!tpu.dma_semaphore, #tpu.memory_space<semaphore_mem>>) src(%arg6 : memref<640x128xf32, #tpu.memory_space<vmem>>) dst(%dma_wait3A_18 : memref<640x128xf32, #tpu.memory_space<hbm>>)
    return
  }
}

module attributes {stable_mosaic.version = 14 : i64} {
  func.func @_diag_expand_kernel(%arg0: i32, %arg1: memref<640x128xf32, #tpu.memory_space<vmem>>, %arg2: memref<32x128x400xf32, #tpu.memory_space<vmem>>) attributes {dimension_semantics = [#tpu.dimension_semantics<arbitrary>], iteration_bounds = array<i64: 32>, scalar_prefetch = 0 : i64, scratch_operands = 0 : i64, tpu.core_type = #tpu.core_type<tc>, window_params = [{transform_indices = @transform_0, window_bounds = array<i64: 640, 128>}, {transform_indices = @transform_1, window_bounds = array<i64: 32, 128, 400>}]} {
    %iota3A = tpu.iota {dimensions = array<i32: 0>} : vector<20x400xi32>
    %iota3A_0 = tpu.iota {dimensions = array<i32: 1>} : vector<20x400xi32>
    %mul3A = arith.constant 21 : i32
    %mul3A_1 = vector.broadcast %mul3A : i32 to vector<20x400xi32>
    %mul3A_2 = arith.muli %mul3A_1, %iota3A : vector<20x400xi32>
    %eq3A = arith.cmpi eq, %iota3A_0, %mul3A_2 : vector<20x400xi32>
    %convert_element_type3A = arith.extui %eq3A : vector<20x400xi1> to vector<20x400xi32>
    %convert_element_type3A_3 = arith.sitofp %convert_element_type3A : vector<20x400xi32> to vector<20x400xf32>
    %get3A = arith.constant 0 : index
    %get3A_4 = arith.constant 0 : index
    %get3A_5 = vector.load %arg1[%get3A, %get3A_4] : memref<640x128xf32, #tpu.memory_space<vmem>>, vector<20x128xf32>
    %dot_general3A = arith.constant dense<0.000000e+00> : vector<128x400xf32>
    %dot_general3A_6 = tpu.matmul %get3A_5, %convert_element_type3A_3, %dot_general3A {dimension_numbers = #tpu.dot_dimension_numbers<[0], [0], [1], [1], [0, 1, 1, 1], [], []>, transpose_lhs_hint = false} : vector<20x128xf32>, vector<20x400xf32>, vector<128x400xf32> -> vector<128x400xf32>
    %swap3A = arith.constant 0 : index
    %swap3A_7 = arith.constant 0 : index
    %swap3A_8 = arith.constant 0 : index
    %swap3A_9 = vector.load %arg2[%swap3A, %swap3A_7, %swap3A_8] : memref<32x128x400xf32, #tpu.memory_space<vmem>>, vector<1x128x400xf32>
    %swap3A_10 = vector.shape_cast %swap3A_9 : vector<1x128x400xf32> to vector<128x400xf32>
    %swap3A_11 = vector.shape_cast %dot_general3A_6 : vector<128x400xf32> to vector<1x128x400xf32>
    tpu.vector_store %arg2[%swap3A, %swap3A_7, %swap3A_8], %swap3A_11 {strides = array<i32>} : memref<32x128x400xf32, #tpu.memory_space<vmem>>, vector<1x128x400xf32>,
    %get3A_12 = arith.constant 20 : index
    %get3A_13 = arith.constant 0 : index
    %get3A_14 = vector.load %arg1[%get3A_12, %get3A_13] : memref<640x128xf32, #tpu.memory_space<vmem>>, vector<20x128xf32>
    %dot_general3A_15 = arith.constant dense<0.000000e+00> : vector<128x400xf32>
    %dot_general3A_16 = tpu.matmul %get3A_14, %convert_element_type3A_3, %dot_general3A_15 {dimension_numbers = #tpu.dot_dimension_numbers<[0], [0], [1], [1], [0, 1, 1, 1], [], []>, transpose_lhs_hint = false} : vector<20x128xf32>, vector<20x400xf32>, vector<128x400xf32> -> vector<128x400xf32>
    %swap3A_17 = arith.constant 1 : index
    %swap3A_18 = arith.constant 0 : index
    %swap3A_19 = arith.constant 0 : index
    %swap3A_20 = vector.load %arg2[%swap3A_17, %swap3A_18, %swap3A_19] : memref<32x128x400xf32, #tpu.memory_space<vmem>>, vector<1x128x400xf32>
    %swap3A_21 = vector.shape_cast %swap3A_20 : vector<1x128x400xf32> to vector<128x400xf32>
    %swap3A_22 = vector.shape_cast %dot_general3A_16 : vector<128x400xf32> to vector<1x128x400xf32>
    tpu.vector_store %arg2[%swap3A_17, %swap3A_18, %swap3A_19], %swap3A_22 {strides = array<i32>} : memref<32x128x400xf32, #tpu.memory_space<vmem>>, vector<1x128x400xf32>,
    %get3A_23 = arith.constant 40 : index
    %get3A_24 = arith.constant 0 : index
    %get3A_25 = vector.load %arg1[%get3A_23, %get3A_24] : memref<640x128xf32, #tpu.memory_space<vmem>>, vector<20x128xf32>
    %dot_general3A_26 = arith.constant dense<0.000000e+00> : vector<128x400xf32>
    %dot_general3A_27 = tpu.matmul %get3A_25, %convert_element_type3A_3, %dot_general3A_26 {dimension_numbers = #tpu.dot_dimension_numbers<[0], [0], [1], [1], [0, 1, 1, 1], [], []>, transpose_lhs_hint = false} : vector<20x128xf32>, vector<20x400xf32>, vector<128x400xf32> -> vector<128x400xf32>
    %swap3A_28 = arith.constant 2 : index
    %swap3A_29 = arith.constant 0 : index
    %swap3A_30 = arith.constant 0 : index
    %swap3A_31 = vector.load %arg2[%swap3A_28, %swap3A_29, %swap3A_30] : memref<32x128x400xf32, #tpu.memory_space<vmem>>, vector<1x128x400xf32>
    %swap3A_32 = vector.shape_cast %swap3A_31 : vector<1x128x400xf32> to vector<128x400xf32>
    %swap3A_33 = vector.shape_cast %dot_general3A_27 : vector<128x400xf32> to vector<1x128x400xf32>
    tpu.vector_store %arg2[%swap3A_28, %swap3A_29, %swap3A_30], %swap3A_33 {strides = array<i32>} : memref<32x128x400xf32, #tpu.memory_space<vmem>>, vector<1x128x400xf32>,
    %get3A_34 = arith.constant 60 : index
    %get3A_35 = arith.constant 0 : index
    %get3A_36 = vector.load %arg1[%get3A_34, %get3A_35] : memref<640x128xf32, #tpu.memory_space<vmem>>, vector<20x128xf32>
    %dot_general3A_37 = arith.constant dense<0.000000e+00> : vector<128x400xf32>
    %dot_general3A_38 = tpu.matmul %get3A_36, %convert_element_type3A_3, %dot_general3A_37 {dimension_numbers = #tpu.dot_dimension_numbers<[0], [0], [1], [1], [0, 1, 1, 1], [], []>, transpose_lhs_hint = false} : vector<20x128xf32>, vector<20x400xf32>, vector<128x400xf32> -> vector<128x400xf32>
    %swap3A_39 = arith.constant 3 : index
    %swap3A_40 = arith.constant 0 : index
    %swap3A_41 = arith.constant 0 : index
    %swap3A_42 = vector.load %arg2[%swap3A_39, %swap3A_40, %swap3A_41] : memref<32x128x400xf32, #tpu.memory_space<vmem>>, vector<1x128x400xf32>
    %swap3A_43 = vector.shape_cast %swap3A_42 : vector<1x128x400xf32> to vector<128x400xf32>
    %swap3A_44 = vector.shape_cast %dot_general3A_38 : vector<128x400xf32> to vector<1x128x400xf32>
    tpu.vector_store %arg2[%swap3A_39, %swap3A_40, %swap3A_41], %swap3A_44 {strides = array<i32>} : memref<32x128x400xf32, #tpu.memory_space<vmem>>, vector<1x128x400xf32>,
    %get3A_45 = arith.constant 80 : index
    %get3A_46 = arith.constant 0 : index
    %get3A_47 = vector.load %arg1[%get3A_45, %get3A_46] : memref<640x128xf32, #tpu.memory_space<vmem>>, vector<20x128xf32>
    %dot_general3A_48 = arith.constant dense<0.000000e+00> : vector<128x400xf32>
    %dot_general3A_49 = tpu.matmul %get3A_47, %convert_element_type3A_3, %dot_general3A_48 {dimension_numbers = #tpu.dot_dimension_numbers<[0], [0], [1], [1], [0, 1, 1, 1], [], []>, transpose_lhs_hint = false} : vector<20x128xf32>, vector<20x400xf32>, vector<128x400xf32> -> vector<128x400xf32>
    %swap3A_50 = arith.constant 4 : index
    %swap3A_51 = arith.constant 0 : index
    %swap3A_52 = arith.constant 0 : index
    %swap3A_53 = vector.load %arg2[%swap3A_50, %swap3A_51, %swap3A_52] : memref<32x128x400xf32, #tpu.memory_space<vmem>>, vector<1x128x400xf32>
    %swap3A_54 = vector.shape_cast %swap3A_53 : vector<1x128x400xf32> to vector<128x400xf32>
    %swap3A_55 = vector.shape_cast %dot_general3A_49 : vector<128x400xf32> to vector<1x128x400xf32>
    tpu.vector_store %arg2[%swap3A_50, %swap3A_51, %swap3A_52], %swap3A_55 {strides = array<i32>} : memref<32x128x400xf32, #tpu.memory_space<vmem>>, vector<1x128x400xf32>,
    %get3A_56 = arith.constant 100 : index
    %get3A_57 = arith.constant 0 : index
    %get3A_58 = vector.load %arg1[%get3A_56, %get3A_57] : memref<640x128xf32, #tpu.memory_space<vmem>>, vector<20x128xf32>
    %dot_general3A_59 = arith.constant dense<0.000000e+00> : vector<128x400xf32>
    %dot_general3A_60 = tpu.matmul %get3A_58, %convert_element_type3A_3, %dot_general3A_59 {dimension_numbers = #tpu.dot_dimension_numbers<[0], [0], [1], [1], [0, 1, 1, 1], [], []>, transpose_lhs_hint = false} : vector<20x128xf32>, vector<20x400xf32>, vector<128x400xf32> -> vector<128x400xf32>
    %swap3A_61 = arith.constant 5 : index
    %swap3A_62 = arith.constant 0 : index
    %swap3A_63 = arith.constant 0 : index
    %swap3A_64 = vector.load %arg2[%swap3A_61, %swap3A_62, %swap3A_63] : memref<32x128x400xf32, #tpu.memory_space<vmem>>, vector<1x128x400xf32>
    %swap3A_65 = vector.shape_cast %swap3A_64 : vector<1x128x400xf32> to vector<128x400xf32>
    %swap3A_66 = vector.shape_cast %dot_general3A_60 : vector<128x400xf32> to vector<1x128x400xf32>
    tpu.vector_store %arg2[%swap3A_61, %swap3A_62, %swap3A_63], %swap3A_66 {strides = array<i32>} : memref<32x128x400xf32, #tpu.memory_space<vmem>>, vector<1x128x400xf32>,
    %get3A_67 = arith.constant 120 : index
    %get3A_68 = arith.constant 0 : index
    %get3A_69 = vector.load %arg1[%get3A_67, %get3A_68] : memref<640x128xf32, #tpu.memory_space<vmem>>, vector<20x128xf32>
    %dot_general3A_70 = arith.constant dense<0.000000e+00> : vector<128x400xf32>
    %dot_general3A_71 = tpu.matmul %get3A_69, %convert_element_type3A_3, %dot_general3A_70 {dimension_numbers = #tpu.dot_dimension_numbers<[0], [0], [1], [1], [0, 1, 1, 1], [], []>, transpose_lhs_hint = false} : vector<20x128xf32>, vector<20x400xf32>, vector<128x400xf32> -> vector<128x400xf32>
    %swap3A_72 = arith.constant 6 : index
    %swap3A_73 = arith.constant 0 : index
    %swap3A_74 = arith.constant 0 : index
    %swap3A_75 = vector.load %arg2[%swap3A_72, %swap3A_73, %swap3A_74] : memref<32x128x400xf32, #tpu.memory_space<vmem>>, vector<1x128x400xf32>
    %swap3A_76 = vector.shape_cast %swap3A_75 : vector<1x128x400xf32> to vector<128x400xf32>
    %swap3A_77 = vector.shape_cast %dot_general3A_71 : vector<128x400xf32> to vector<1x128x400xf32>
    tpu.vector_store %arg2[%swap3A_72, %swap3A_73, %swap3A_74], %swap3A_77 {strides = array<i32>} : memref<32x128x400xf32, #tpu.memory_space<vmem>>, vector<1x128x400xf32>,
    %get3A_78 = arith.constant 140 : index
    %get3A_79 = arith.constant 0 : index
    %get3A_80 = vector.load %arg1[%get3A_78, %get3A_79] : memref<640x128xf32, #tpu.memory_space<vmem>>, vector<20x128xf32>
    %dot_general3A_81 = arith.constant dense<0.000000e+00> : vector<128x400xf32>
    %dot_general3A_82 = tpu.matmul %get3A_80, %convert_element_type3A_3, %dot_general3A_81 {dimension_numbers = #tpu.dot_dimension_numbers<[0], [0], [1], [1], [0, 1, 1, 1], [], []>, transpose_lhs_hint = false} : vector<20x128xf32>, vector<20x400xf32>, vector<128x400xf32> -> vector<128x400xf32>
    %swap3A_83 = arith.constant 7 : index
    %swap3A_84 = arith.constant 0 : index
    %swap3A_85 = arith.constant 0 : index
    %swap3A_86 = vector.load %arg2[%swap3A_83, %swap3A_84, %swap3A_85] : memref<32x128x400xf32, #tpu.memory_space<vmem>>, vector<1x128x400xf32>
    %swap3A_87 = vector.shape_cast %swap3A_86 : vector<1x128x400xf32> to vector<128x400xf32>
    %swap3A_88 = vector.shape_cast %dot_general3A_82 : vector<128x400xf32> to vector<1x128x400xf32>
    tpu.vector_store %arg2[%swap3A_83, %swap3A_84, %swap3A_85], %swap3A_88 {strides = array<i32>} : memref<32x128x400xf32, #tpu.memory_space<vmem>>, vector<1x128x400xf32>,
    %get3A_89 = arith.constant 160 : index
    %get3A_90 = arith.constant 0 : index
    %get3A_91 = vector.load %arg1[%get3A_89, %get3A_90] : memref<640x128xf32, #tpu.memory_space<vmem>>, vector<20x128xf32>
    %dot_general3A_92 = arith.constant dense<0.000000e+00> : vector<128x400xf32>
    %dot_general3A_93 = tpu.matmul %get3A_91, %convert_element_type3A_3, %dot_general3A_92 {dimension_numbers = #tpu.dot_dimension_numbers<[0], [0], [1], [1], [0, 1, 1, 1], [], []>, transpose_lhs_hint = false} : vector<20x128xf32>, vector<20x400xf32>, vector<128x400xf32> -> vector<128x400xf32>
    %swap3A_94 = arith.constant 8 : index
    %swap3A_95 = arith.constant 0 : index
    %swap3A_96 = arith.constant 0 : index
    %swap3A_97 = vector.load %arg2[%swap3A_94, %swap3A_95, %swap3A_96] : memref<32x128x400xf32, #tpu.memory_space<vmem>>, vector<1x128x400xf32>
    %swap3A_98 = vector.shape_cast %swap3A_97 : vector<1x128x400xf32> to vector<128x400xf32>
    %swap3A_99 = vector.shape_cast %dot_general3A_93 : vector<128x400xf32> to vector<1x128x400xf32>
    tpu.vector_store %arg2[%swap3A_94, %swap3A_95, %swap3A_96], %swap3A_99 {strides = array<i32>} : memref<32x128x400xf32, #tpu.memory_space<vmem>>, vector<1x128x400xf32>,
    %get3A_100 = arith.constant 180 : index
    %get3A_101 = arith.constant 0 : index
    %get3A_102 = vector.load %arg1[%get3A_100, %get3A_101] : memref<640x128xf32, #tpu.memory_space<vmem>>, vector<20x128xf32>
    %dot_general3A_103 = arith.constant dense<0.000000e+00> : vector<128x400xf32>
    %dot_general3A_104 = tpu.matmul %get3A_102, %convert_element_type3A_3, %dot_general3A_103 {dimension_numbers = #tpu.dot_dimension_numbers<[0], [0], [1], [1], [0, 1, 1, 1], [], []>, transpose_lhs_hint = false} : vector<20x128xf32>, vector<20x400xf32>, vector<128x400xf32> -> vector<128x400xf32>
    %swap3A_105 = arith.constant 9 : index
    %swap3A_106 = arith.constant 0 : index
    %swap3A_107 = arith.constant 0 : index
    %swap3A_108 = vector.load %arg2[%swap3A_105, %swap3A_106, %swap3A_107] : memref<32x128x400xf32, #tpu.memory_space<vmem>>, vector<1x128x400xf32>
    %swap3A_109 = vector.shape_cast %swap3A_108 : vector<1x128x400xf32> to vector<128x400xf32>
    %swap3A_110 = vector.shape_cast %dot_general3A_104 : vector<128x400xf32> to vector<1x128x400xf32>
    tpu.vector_store %arg2[%swap3A_105, %swap3A_106, %swap3A_107], %swap3A_110 {strides = array<i32>} : memref<32x128x400xf32, #tpu.memory_space<vmem>>, vector<1x128x400xf32>,
    %get3A_111 = arith.constant 200 : index
    %get3A_112 = arith.constant 0 : index
    %get3A_113 = vector.load %arg1[%get3A_111, %get3A_112] : memref<640x128xf32, #tpu.memory_space<vmem>>, vector<20x128xf32>
    %dot_general3A_114 = arith.constant dense<0.000000e+00> : vector<128x400xf32>
    %dot_general3A_115 = tpu.matmul %get3A_113, %convert_element_type3A_3, %dot_general3A_114 {dimension_numbers = #tpu.dot_dimension_numbers<[0], [0], [1], [1], [0, 1, 1, 1], [], []>, transpose_lhs_hint = false} : vector<20x128xf32>, vector<20x400xf32>, vector<128x400xf32> -> vector<128x400xf32>
    %swap3A_116 = arith.constant 10 : index
    %swap3A_117 = arith.constant 0 : index
    %swap3A_118 = arith.constant 0 : index
    %swap3A_119 = vector.load %arg2[%swap3A_116, %swap3A_117, %swap3A_118] : memref<32x128x400xf32, #tpu.memory_space<vmem>>, vector<1x128x400xf32>
    %swap3A_120 = vector.shape_cast %swap3A_119 : vector<1x128x400xf32> to vector<128x400xf32>
    %swap3A_121 = vector.shape_cast %dot_general3A_115 : vector<128x400xf32> to vector<1x128x400xf32>
    tpu.vector_store %arg2[%swap3A_116, %swap3A_117, %swap3A_118], %swap3A_121 {strides = array<i32>} : memref<32x128x400xf32, #tpu.memory_space<vmem>>, vector<1x128x400xf32>,
    %get3A_122 = arith.constant 220 : index
    %get3A_123 = arith.constant 0 : index
    %get3A_124 = vector.load %arg1[%get3A_122, %get3A_123] : memref<640x128xf32, #tpu.memory_space<vmem>>, vector<20x128xf32>
    %dot_general3A_125 = arith.constant dense<0.000000e+00> : vector<128x400xf32>
    %dot_general3A_126 = tpu.matmul %get3A_124, %convert_element_type3A_3, %dot_general3A_125 {dimension_numbers = #tpu.dot_dimension_numbers<[0], [0], [1], [1], [0, 1, 1, 1], [], []>, transpose_lhs_hint = false} : vector<20x128xf32>, vector<20x400xf32>, vector<128x400xf32> -> vector<128x400xf32>
    %swap3A_127 = arith.constant 11 : index
    %swap3A_128 = arith.constant 0 : index
    %swap3A_129 = arith.constant 0 : index
    %swap3A_130 = vector.load %arg2[%swap3A_127, %swap3A_128, %swap3A_129] : memref<32x128x400xf32, #tpu.memory_space<vmem>>, vector<1x128x400xf32>
    %swap3A_131 = vector.shape_cast %swap3A_130 : vector<1x128x400xf32> to vector<128x400xf32>
    %swap3A_132 = vector.shape_cast %dot_general3A_126 : vector<128x400xf32> to vector<1x128x400xf32>
    tpu.vector_store %arg2[%swap3A_127, %swap3A_128, %swap3A_129], %swap3A_132 {strides = array<i32>} : memref<32x128x400xf32, #tpu.memory_space<vmem>>, vector<1x128x400xf32>,
    %get3A_133 = arith.constant 240 : index
    %get3A_134 = arith.constant 0 : index
    %get3A_135 = vector.load %arg1[%get3A_133, %get3A_134] : memref<640x128xf32, #tpu.memory_space<vmem>>, vector<20x128xf32>
    %dot_general3A_136 = arith.constant dense<0.000000e+00> : vector<128x400xf32>
    %dot_general3A_137 = tpu.matmul %get3A_135, %convert_element_type3A_3, %dot_general3A_136 {dimension_numbers = #tpu.dot_dimension_numbers<[0], [0], [1], [1], [0, 1, 1, 1], [], []>, transpose_lhs_hint = false} : vector<20x128xf32>, vector<20x400xf32>, vector<128x400xf32> -> vector<128x400xf32>
    %swap3A_138 = arith.constant 12 : index
    %swap3A_139 = arith.constant 0 : index
    %swap3A_140 = arith.constant 0 : index
    %swap3A_141 = vector.load %arg2[%swap3A_138, %swap3A_139, %swap3A_140] : memref<32x128x400xf32, #tpu.memory_space<vmem>>, vector<1x128x400xf32>
    %swap3A_142 = vector.shape_cast %swap3A_141 : vector<1x128x400xf32> to vector<128x400xf32>
    %swap3A_143 = vector.shape_cast %dot_general3A_137 : vector<128x400xf32> to vector<1x128x400xf32>
    tpu.vector_store %arg2[%swap3A_138, %swap3A_139, %swap3A_140], %swap3A_143 {strides = array<i32>} : memref<32x128x400xf32, #tpu.memory_space<vmem>>, vector<1x128x400xf32>,
    %get3A_144 = arith.constant 260 : index
    %get3A_145 = arith.constant 0 : index
    %get3A_146 = vector.load %arg1[%get3A_144, %get3A_145] : memref<640x128xf32, #tpu.memory_space<vmem>>, vector<20x128xf32>
    %dot_general3A_147 = arith.constant dense<0.000000e+00> : vector<128x400xf32>
    %dot_general3A_148 = tpu.matmul %get3A_146, %convert_element_type3A_3, %dot_general3A_147 {dimension_numbers = #tpu.dot_dimension_numbers<[0], [0], [1], [1], [0, 1, 1, 1], [], []>, transpose_lhs_hint = false} : vector<20x128xf32>, vector<20x400xf32>, vector<128x400xf32> -> vector<128x400xf32>
    %swap3A_149 = arith.constant 13 : index
    %swap3A_150 = arith.constant 0 : index
    %swap3A_151 = arith.constant 0 : index
    %swap3A_152 = vector.load %arg2[%swap3A_149, %swap3A_150, %swap3A_151] : memref<32x128x400xf32, #tpu.memory_space<vmem>>, vector<1x128x400xf32>
    %swap3A_153 = vector.shape_cast %swap3A_152 : vector<1x128x400xf32> to vector<128x400xf32>
    %swap3A_154 = vector.shape_cast %dot_general3A_148 : vector<128x400xf32> to vector<1x128x400xf32>
    tpu.vector_store %arg2[%swap3A_149, %swap3A_150, %swap3A_151], %swap3A_154 {strides = array<i32>} : memref<32x128x400xf32, #tpu.memory_space<vmem>>, vector<1x128x400xf32>,
    %get3A_155 = arith.constant 280 : index
    %get3A_156 = arith.constant 0 : index
    %get3A_157 = vector.load %arg1[%get3A_155, %get3A_156] : memref<640x128xf32, #tpu.memory_space<vmem>>, vector<20x128xf32>
    %dot_general3A_158 = arith.constant dense<0.000000e+00> : vector<128x400xf32>
    %dot_general3A_159 = tpu.matmul %get3A_157, %convert_element_type3A_3, %dot_general3A_158 {dimension_numbers = #tpu.dot_dimension_numbers<[0], [0], [1], [1], [0, 1, 1, 1], [], []>, transpose_lhs_hint = false} : vector<20x128xf32>, vector<20x400xf32>, vector<128x400xf32> -> vector<128x400xf32>
    %swap3A_160 = arith.constant 14 : index
    %swap3A_161 = arith.constant 0 : index
    %swap3A_162 = arith.constant 0 : index
    %swap3A_163 = vector.load %arg2[%swap3A_160, %swap3A_161, %swap3A_162] : memref<32x128x400xf32, #tpu.memory_space<vmem>>, vector<1x128x400xf32>
    %swap3A_164 = vector.shape_cast %swap3A_163 : vector<1x128x400xf32> to vector<128x400xf32>
    %swap3A_165 = vector.shape_cast %dot_general3A_159 : vector<128x400xf32> to vector<1x128x400xf32>
    tpu.vector_store %arg2[%swap3A_160, %swap3A_161, %swap3A_162], %swap3A_165 {strides = array<i32>} : memref<32x128x400xf32, #tpu.memory_space<vmem>>, vector<1x128x400xf32>,
    %get3A_166 = arith.constant 300 : index
    %get3A_167 = arith.constant 0 : index
    %get3A_168 = vector.load %arg1[%get3A_166, %get3A_167] : memref<640x128xf32, #tpu.memory_space<vmem>>, vector<20x128xf32>
    %dot_general3A_169 = arith.constant dense<0.000000e+00> : vector<128x400xf32>
    %dot_general3A_170 = tpu.matmul %get3A_168, %convert_element_type3A_3, %dot_general3A_169 {dimension_numbers = #tpu.dot_dimension_numbers<[0], [0], [1], [1], [0, 1, 1, 1], [], []>, transpose_lhs_hint = false} : vector<20x128xf32>, vector<20x400xf32>, vector<128x400xf32> -> vector<128x400xf32>
    %swap3A_171 = arith.constant 15 : index
    %swap3A_172 = arith.constant 0 : index
    %swap3A_173 = arith.constant 0 : index
    %swap3A_174 = vector.load %arg2[%swap3A_171, %swap3A_172, %swap3A_173] : memref<32x128x400xf32, #tpu.memory_space<vmem>>, vector<1x128x400xf32>
    %swap3A_175 = vector.shape_cast %swap3A_174 : vector<1x128x400xf32> to vector<128x400xf32>
    %swap3A_176 = vector.shape_cast %dot_general3A_170 : vector<128x400xf32> to vector<1x128x400xf32>
    tpu.vector_store %arg2[%swap3A_171, %swap3A_172, %swap3A_173], %swap3A_176 {strides = array<i32>} : memref<32x128x400xf32, #tpu.memory_space<vmem>>, vector<1x128x400xf32>,
    %get3A_177 = arith.constant 320 : index
    %get3A_178 = arith.constant 0 : index
    %get3A_179 = vector.load %arg1[%get3A_177, %get3A_178] : memref<640x128xf32, #tpu.memory_space<vmem>>, vector<20x128xf32>
    %dot_general3A_180 = arith.constant dense<0.000000e+00> : vector<128x400xf32>
    %dot_general3A_181 = tpu.matmul %get3A_179, %convert_element_type3A_3, %dot_general3A_180 {dimension_numbers = #tpu.dot_dimension_numbers<[0], [0], [1], [1], [0, 1, 1, 1], [], []>, transpose_lhs_hint = false} : vector<20x128xf32>, vector<20x400xf32>, vector<128x400xf32> -> vector<128x400xf32>
    %swap3A_182 = arith.constant 16 : index
    %swap3A_183 = arith.constant 0 : index
    %swap3A_184 = arith.constant 0 : index
    %swap3A_185 = vector.load %arg2[%swap3A_182, %swap3A_183, %swap3A_184] : memref<32x128x400xf32, #tpu.memory_space<vmem>>, vector<1x128x400xf32>
    %swap3A_186 = vector.shape_cast %swap3A_185 : vector<1x128x400xf32> to vector<128x400xf32>
    %swap3A_187 = vector.shape_cast %dot_general3A_181 : vector<128x400xf32> to vector<1x128x400xf32>
    tpu.vector_store %arg2[%swap3A_182, %swap3A_183, %swap3A_184], %swap3A_187 {strides = array<i32>} : memref<32x128x400xf32, #tpu.memory_space<vmem>>, vector<1x128x400xf32>,
    %get3A_188 = arith.constant 340 : index
    %get3A_189 = arith.constant 0 : index
    %get3A_190 = vector.load %arg1[%get3A_188, %get3A_189] : memref<640x128xf32, #tpu.memory_space<vmem>>, vector<20x128xf32>
    %dot_general3A_191 = arith.constant dense<0.000000e+00> : vector<128x400xf32>
    %dot_general3A_192 = tpu.matmul %get3A_190, %convert_element_type3A_3, %dot_general3A_191 {dimension_numbers = #tpu.dot_dimension_numbers<[0], [0], [1], [1], [0, 1, 1, 1], [], []>, transpose_lhs_hint = false} : vector<20x128xf32>, vector<20x400xf32>, vector<128x400xf32> -> vector<128x400xf32>
    %swap3A_193 = arith.constant 17 : index
    %swap3A_194 = arith.constant 0 : index
    %swap3A_195 = arith.constant 0 : index
    %swap3A_196 = vector.load %arg2[%swap3A_193, %swap3A_194, %swap3A_195] : memref<32x128x400xf32, #tpu.memory_space<vmem>>, vector<1x128x400xf32>
    %swap3A_197 = vector.shape_cast %swap3A_196 : vector<1x128x400xf32> to vector<128x400xf32>
    %swap3A_198 = vector.shape_cast %dot_general3A_192 : vector<128x400xf32> to vector<1x128x400xf32>
    tpu.vector_store %arg2[%swap3A_193, %swap3A_194, %swap3A_195], %swap3A_198 {strides = array<i32>} : memref<32x128x400xf32, #tpu.memory_space<vmem>>, vector<1x128x400xf32>,
    %get3A_199 = arith.constant 360 : index
    %get3A_200 = arith.constant 0 : index
    %get3A_201 = vector.load %arg1[%get3A_199, %get3A_200] : memref<640x128xf32, #tpu.memory_space<vmem>>, vector<20x128xf32>
    %dot_general3A_202 = arith.constant dense<0.000000e+00> : vector<128x400xf32>
    %dot_general3A_203 = tpu.matmul %get3A_201, %convert_element_type3A_3, %dot_general3A_202 {dimension_numbers = #tpu.dot_dimension_numbers<[0], [0], [1], [1], [0, 1, 1, 1], [], []>, transpose_lhs_hint = false} : vector<20x128xf32>, vector<20x400xf32>, vector<128x400xf32> -> vector<128x400xf32>
    %swap3A_204 = arith.constant 18 : index
    %swap3A_205 = arith.constant 0 : index
    %swap3A_206 = arith.constant 0 : index
    %swap3A_207 = vector.load %arg2[%swap3A_204, %swap3A_205, %swap3A_206] : memref<32x128x400xf32, #tpu.memory_space<vmem>>, vector<1x128x400xf32>
    %swap3A_208 = vector.shape_cast %swap3A_207 : vector<1x128x400xf32> to vector<128x400xf32>
    %swap3A_209 = vector.shape_cast %dot_general3A_203 : vector<128x400xf32> to vector<1x128x400xf32>
    tpu.vector_store %arg2[%swap3A_204, %swap3A_205, %swap3A_206], %swap3A_209 {strides = array<i32>} : memref<32x128x400xf32, #tpu.memory_space<vmem>>, vector<1x128x400xf32>,
    %get3A_210 = arith.constant 380 : index
    %get3A_211 = arith.constant 0 : index
    %get3A_212 = vector.load %arg1[%get3A_210, %get3A_211] : memref<640x128xf32, #tpu.memory_space<vmem>>, vector<20x128xf32>
    %dot_general3A_213 = arith.constant dense<0.000000e+00> : vector<128x400xf32>
    %dot_general3A_214 = tpu.matmul %get3A_212, %convert_element_type3A_3, %dot_general3A_213 {dimension_numbers = #tpu.dot_dimension_numbers<[0], [0], [1], [1], [0, 1, 1, 1], [], []>, transpose_lhs_hint = false} : vector<20x128xf32>, vector<20x400xf32>, vector<128x400xf32> -> vector<128x400xf32>
    %swap3A_215 = arith.constant 19 : index
    %swap3A_216 = arith.constant 0 : index
    %swap3A_217 = arith.constant 0 : index
    %swap3A_218 = vector.load %arg2[%swap3A_215, %swap3A_216, %swap3A_217] : memref<32x128x400xf32, #tpu.memory_space<vmem>>, vector<1x128x400xf32>
    %swap3A_219 = vector.shape_cast %swap3A_218 : vector<1x128x400xf32> to vector<128x400xf32>
    %swap3A_220 = vector.shape_cast %dot_general3A_214 : vector<128x400xf32> to vector<1x128x400xf32>
    tpu.vector_store %arg2[%swap3A_215, %swap3A_216, %swap3A_217], %swap3A_220 {strides = array<i32>} : memref<32x128x400xf32, #tpu.memory_space<vmem>>, vector<1x128x400xf32>,
    %get3A_221 = arith.constant 400 : index
    %get3A_222 = arith.constant 0 : index
    %get3A_223 = vector.load %arg1[%get3A_221, %get3A_222] : memref<640x128xf32, #tpu.memory_space<vmem>>, vector<20x128xf32>
    %dot_general3A_224 = arith.constant dense<0.000000e+00> : vector<128x400xf32>
    %dot_general3A_225 = tpu.matmul %get3A_223, %convert_element_type3A_3, %dot_general3A_224 {dimension_numbers = #tpu.dot_dimension_numbers<[0], [0], [1], [1], [0, 1, 1, 1], [], []>, transpose_lhs_hint = false} : vector<20x128xf32>, vector<20x400xf32>, vector<128x400xf32> -> vector<128x400xf32>
    %swap3A_226 = arith.constant 20 : index
    %swap3A_227 = arith.constant 0 : index
    %swap3A_228 = arith.constant 0 : index
    %swap3A_229 = vector.load %arg2[%swap3A_226, %swap3A_227, %swap3A_228] : memref<32x128x400xf32, #tpu.memory_space<vmem>>, vector<1x128x400xf32>
    %swap3A_230 = vector.shape_cast %swap3A_229 : vector<1x128x400xf32> to vector<128x400xf32>
    %swap3A_231 = vector.shape_cast %dot_general3A_225 : vector<128x400xf32> to vector<1x128x400xf32>
    tpu.vector_store %arg2[%swap3A_226, %swap3A_227, %swap3A_228], %swap3A_231 {strides = array<i32>} : memref<32x128x400xf32, #tpu.memory_space<vmem>>, vector<1x128x400xf32>,
    %get3A_232 = arith.constant 420 : index
    %get3A_233 = arith.constant 0 : index
    %get3A_234 = vector.load %arg1[%get3A_232, %get3A_233] : memref<640x128xf32, #tpu.memory_space<vmem>>, vector<20x128xf32>
    %dot_general3A_235 = arith.constant dense<0.000000e+00> : vector<128x400xf32>
    %dot_general3A_236 = tpu.matmul %get3A_234, %convert_element_type3A_3, %dot_general3A_235 {dimension_numbers = #tpu.dot_dimension_numbers<[0], [0], [1], [1], [0, 1, 1, 1], [], []>, transpose_lhs_hint = false} : vector<20x128xf32>, vector<20x400xf32>, vector<128x400xf32> -> vector<128x400xf32>
    %swap3A_237 = arith.constant 21 : index
    %swap3A_238 = arith.constant 0 : index
    %swap3A_239 = arith.constant 0 : index
    %swap3A_240 = vector.load %arg2[%swap3A_237, %swap3A_238, %swap3A_239] : memref<32x128x400xf32, #tpu.memory_space<vmem>>, vector<1x128x400xf32>
    %swap3A_241 = vector.shape_cast %swap3A_240 : vector<1x128x400xf32> to vector<128x400xf32>
    %swap3A_242 = vector.shape_cast %dot_general3A_236 : vector<128x400xf32> to vector<1x128x400xf32>
    tpu.vector_store %arg2[%swap3A_237, %swap3A_238, %swap3A_239], %swap3A_242 {strides = array<i32>} : memref<32x128x400xf32, #tpu.memory_space<vmem>>, vector<1x128x400xf32>,
    %get3A_243 = arith.constant 440 : index
    %get3A_244 = arith.constant 0 : index
    %get3A_245 = vector.load %arg1[%get3A_243, %get3A_244] : memref<640x128xf32, #tpu.memory_space<vmem>>, vector<20x128xf32>
    %dot_general3A_246 = arith.constant dense<0.000000e+00> : vector<128x400xf32>
    %dot_general3A_247 = tpu.matmul %get3A_245, %convert_element_type3A_3, %dot_general3A_246 {dimension_numbers = #tpu.dot_dimension_numbers<[0], [0], [1], [1], [0, 1, 1, 1], [], []>, transpose_lhs_hint = false} : vector<20x128xf32>, vector<20x400xf32>, vector<128x400xf32> -> vector<128x400xf32>
    %swap3A_248 = arith.constant 22 : index
    %swap3A_249 = arith.constant 0 : index
    %swap3A_250 = arith.constant 0 : index
    %swap3A_251 = vector.load %arg2[%swap3A_248, %swap3A_249, %swap3A_250] : memref<32x128x400xf32, #tpu.memory_space<vmem>>, vector<1x128x400xf32>
    %swap3A_252 = vector.shape_cast %swap3A_251 : vector<1x128x400xf32> to vector<128x400xf32>
    %swap3A_253 = vector.shape_cast %dot_general3A_247 : vector<128x400xf32> to vector<1x128x400xf32>
    tpu.vector_store %arg2[%swap3A_248, %swap3A_249, %swap3A_250], %swap3A_253 {strides = array<i32>} : memref<32x128x400xf32, #tpu.memory_space<vmem>>, vector<1x128x400xf32>,
    %get3A_254 = arith.constant 460 : index
    %get3A_255 = arith.constant 0 : index
    %get3A_256 = vector.load %arg1[%get3A_254, %get3A_255] : memref<640x128xf32, #tpu.memory_space<vmem>>, vector<20x128xf32>
    %dot_general3A_257 = arith.constant dense<0.000000e+00> : vector<128x400xf32>
    %dot_general3A_258 = tpu.matmul %get3A_256, %convert_element_type3A_3, %dot_general3A_257 {dimension_numbers = #tpu.dot_dimension_numbers<[0], [0], [1], [1], [0, 1, 1, 1], [], []>, transpose_lhs_hint = false} : vector<20x128xf32>, vector<20x400xf32>, vector<128x400xf32> -> vector<128x400xf32>
    %swap3A_259 = arith.constant 23 : index
    %swap3A_260 = arith.constant 0 : index
    %swap3A_261 = arith.constant 0 : index
    %swap3A_262 = vector.load %arg2[%swap3A_259, %swap3A_260, %swap3A_261] : memref<32x128x400xf32, #tpu.memory_space<vmem>>, vector<1x128x400xf32>
    %swap3A_263 = vector.shape_cast %swap3A_262 : vector<1x128x400xf32> to vector<128x400xf32>
    %swap3A_264 = vector.shape_cast %dot_general3A_258 : vector<128x400xf32> to vector<1x128x400xf32>
    tpu.vector_store %arg2[%swap3A_259, %swap3A_260, %swap3A_261], %swap3A_264 {strides = array<i32>} : memref<32x128x400xf32, #tpu.memory_space<vmem>>, vector<1x128x400xf32>,
    %get3A_265 = arith.constant 480 : index
    %get3A_266 = arith.constant 0 : index
    %get3A_267 = vector.load %arg1[%get3A_265, %get3A_266] : memref<640x128xf32, #tpu.memory_space<vmem>>, vector<20x128xf32>
    %dot_general3A_268 = arith.constant dense<0.000000e+00> : vector<128x400xf32>
    %dot_general3A_269 = tpu.matmul %get3A_267, %convert_element_type3A_3, %dot_general3A_268 {dimension_numbers = #tpu.dot_dimension_numbers<[0], [0], [1], [1], [0, 1, 1, 1], [], []>, transpose_lhs_hint = false} : vector<20x128xf32>, vector<20x400xf32>, vector<128x400xf32> -> vector<128x400xf32>
    %swap3A_270 = arith.constant 24 : index
    %swap3A_271 = arith.constant 0 : index
    %swap3A_272 = arith.constant 0 : index
    %swap3A_273 = vector.load %arg2[%swap3A_270, %swap3A_271, %swap3A_272] : memref<32x128x400xf32, #tpu.memory_space<vmem>>, vector<1x128x400xf32>
    %swap3A_274 = vector.shape_cast %swap3A_273 : vector<1x128x400xf32> to vector<128x400xf32>
    %swap3A_275 = vector.shape_cast %dot_general3A_269 : vector<128x400xf32> to vector<1x128x400xf32>
    tpu.vector_store %arg2[%swap3A_270, %swap3A_271, %swap3A_272], %swap3A_275 {strides = array<i32>} : memref<32x128x400xf32, #tpu.memory_space<vmem>>, vector<1x128x400xf32>,
    %get3A_276 = arith.constant 500 : index
    %get3A_277 = arith.constant 0 : index
    %get3A_278 = vector.load %arg1[%get3A_276, %get3A_277] : memref<640x128xf32, #tpu.memory_space<vmem>>, vector<20x128xf32>
    %dot_general3A_279 = arith.constant dense<0.000000e+00> : vector<128x400xf32>
    %dot_general3A_280 = tpu.matmul %get3A_278, %convert_element_type3A_3, %dot_general3A_279 {dimension_numbers = #tpu.dot_dimension_numbers<[0], [0], [1], [1], [0, 1, 1, 1], [], []>, transpose_lhs_hint = false} : vector<20x128xf32>, vector<20x400xf32>, vector<128x400xf32> -> vector<128x400xf32>
    %swap3A_281 = arith.constant 25 : index
    %swap3A_282 = arith.constant 0 : index
    %swap3A_283 = arith.constant 0 : index
    %swap3A_284 = vector.load %arg2[%swap3A_281, %swap3A_282, %swap3A_283] : memref<32x128x400xf32, #tpu.memory_space<vmem>>, vector<1x128x400xf32>
    %swap3A_285 = vector.shape_cast %swap3A_284 : vector<1x128x400xf32> to vector<128x400xf32>
    %swap3A_286 = vector.shape_cast %dot_general3A_280 : vector<128x400xf32> to vector<1x128x400xf32>
    tpu.vector_store %arg2[%swap3A_281, %swap3A_282, %swap3A_283], %swap3A_286 {strides = array<i32>} : memref<32x128x400xf32, #tpu.memory_space<vmem>>, vector<1x128x400xf32>,
    %get3A_287 = arith.constant 520 : index
    %get3A_288 = arith.constant 0 : index
    %get3A_289 = vector.load %arg1[%get3A_287, %get3A_288] : memref<640x128xf32, #tpu.memory_space<vmem>>, vector<20x128xf32>
    %dot_general3A_290 = arith.constant dense<0.000000e+00> : vector<128x400xf32>
    %dot_general3A_291 = tpu.matmul %get3A_289, %convert_element_type3A_3, %dot_general3A_290 {dimension_numbers = #tpu.dot_dimension_numbers<[0], [0], [1], [1], [0, 1, 1, 1], [], []>, transpose_lhs_hint = false} : vector<20x128xf32>, vector<20x400xf32>, vector<128x400xf32> -> vector<128x400xf32>
    %swap3A_292 = arith.constant 26 : index
    %swap3A_293 = arith.constant 0 : index
    %swap3A_294 = arith.constant 0 : index
    %swap3A_295 = vector.load %arg2[%swap3A_292, %swap3A_293, %swap3A_294] : memref<32x128x400xf32, #tpu.memory_space<vmem>>, vector<1x128x400xf32>
    %swap3A_296 = vector.shape_cast %swap3A_295 : vector<1x128x400xf32> to vector<128x400xf32>
    %swap3A_297 = vector.shape_cast %dot_general3A_291 : vector<128x400xf32> to vector<1x128x400xf32>
    tpu.vector_store %arg2[%swap3A_292, %swap3A_293, %swap3A_294], %swap3A_297 {strides = array<i32>} : memref<32x128x400xf32, #tpu.memory_space<vmem>>, vector<1x128x400xf32>,
    %get3A_298 = arith.constant 540 : index
    %get3A_299 = arith.constant 0 : index
    %get3A_300 = vector.load %arg1[%get3A_298, %get3A_299] : memref<640x128xf32, #tpu.memory_space<vmem>>, vector<20x128xf32>
    %dot_general3A_301 = arith.constant dense<0.000000e+00> : vector<128x400xf32>
    %dot_general3A_302 = tpu.matmul %get3A_300, %convert_element_type3A_3, %dot_general3A_301 {dimension_numbers = #tpu.dot_dimension_numbers<[0], [0], [1], [1], [0, 1, 1, 1], [], []>, transpose_lhs_hint = false} : vector<20x128xf32>, vector<20x400xf32>, vector<128x400xf32> -> vector<128x400xf32>
    %swap3A_303 = arith.constant 27 : index
    %swap3A_304 = arith.constant 0 : index
    %swap3A_305 = arith.constant 0 : index
    %swap3A_306 = vector.load %arg2[%swap3A_303, %swap3A_304, %swap3A_305] : memref<32x128x400xf32, #tpu.memory_space<vmem>>, vector<1x128x400xf32>
    %swap3A_307 = vector.shape_cast %swap3A_306 : vector<1x128x400xf32> to vector<128x400xf32>
    %swap3A_308 = vector.shape_cast %dot_general3A_302 : vector<128x400xf32> to vector<1x128x400xf32>
    tpu.vector_store %arg2[%swap3A_303, %swap3A_304, %swap3A_305], %swap3A_308 {strides = array<i32>} : memref<32x128x400xf32, #tpu.memory_space<vmem>>, vector<1x128x400xf32>,
    %get3A_309 = arith.constant 560 : index
    %get3A_310 = arith.constant 0 : index
    %get3A_311 = vector.load %arg1[%get3A_309, %get3A_310] : memref<640x128xf32, #tpu.memory_space<vmem>>, vector<20x128xf32>
    %dot_general3A_312 = arith.constant dense<0.000000e+00> : vector<128x400xf32>
    %dot_general3A_313 = tpu.matmul %get3A_311, %convert_element_type3A_3, %dot_general3A_312 {dimension_numbers = #tpu.dot_dimension_numbers<[0], [0], [1], [1], [0, 1, 1, 1], [], []>, transpose_lhs_hint = false} : vector<20x128xf32>, vector<20x400xf32>, vector<128x400xf32> -> vector<128x400xf32>
    %swap3A_314 = arith.constant 28 : index
    %swap3A_315 = arith.constant 0 : index
    %swap3A_316 = arith.constant 0 : index
    %swap3A_317 = vector.load %arg2[%swap3A_314, %swap3A_315, %swap3A_316] : memref<32x128x400xf32, #tpu.memory_space<vmem>>, vector<1x128x400xf32>
    %swap3A_318 = vector.shape_cast %swap3A_317 : vector<1x128x400xf32> to vector<128x400xf32>
    %swap3A_319 = vector.shape_cast %dot_general3A_313 : vector<128x400xf32> to vector<1x128x400xf32>
    tpu.vector_store %arg2[%swap3A_314, %swap3A_315, %swap3A_316], %swap3A_319 {strides = array<i32>} : memref<32x128x400xf32, #tpu.memory_space<vmem>>, vector<1x128x400xf32>,
    %get3A_320 = arith.constant 580 : index
    %get3A_321 = arith.constant 0 : index
    %get3A_322 = vector.load %arg1[%get3A_320, %get3A_321] : memref<640x128xf32, #tpu.memory_space<vmem>>, vector<20x128xf32>
    %dot_general3A_323 = arith.constant dense<0.000000e+00> : vector<128x400xf32>
    %dot_general3A_324 = tpu.matmul %get3A_322, %convert_element_type3A_3, %dot_general3A_323 {dimension_numbers = #tpu.dot_dimension_numbers<[0], [0], [1], [1], [0, 1, 1, 1], [], []>, transpose_lhs_hint = false} : vector<20x128xf32>, vector<20x400xf32>, vector<128x400xf32> -> vector<128x400xf32>
    %swap3A_325 = arith.constant 29 : index
    %swap3A_326 = arith.constant 0 : index
    %swap3A_327 = arith.constant 0 : index
    %swap3A_328 = vector.load %arg2[%swap3A_325, %swap3A_326, %swap3A_327] : memref<32x128x400xf32, #tpu.memory_space<vmem>>, vector<1x128x400xf32>
    %swap3A_329 = vector.shape_cast %swap3A_328 : vector<1x128x400xf32> to vector<128x400xf32>
    %swap3A_330 = vector.shape_cast %dot_general3A_324 : vector<128x400xf32> to vector<1x128x400xf32>
    tpu.vector_store %arg2[%swap3A_325, %swap3A_326, %swap3A_327], %swap3A_330 {strides = array<i32>} : memref<32x128x400xf32, #tpu.memory_space<vmem>>, vector<1x128x400xf32>,
    %get3A_331 = arith.constant 600 : index
    %get3A_332 = arith.constant 0 : index
    %get3A_333 = vector.load %arg1[%get3A_331, %get3A_332] : memref<640x128xf32, #tpu.memory_space<vmem>>, vector<20x128xf32>
    %dot_general3A_334 = arith.constant dense<0.000000e+00> : vector<128x400xf32>
    %dot_general3A_335 = tpu.matmul %get3A_333, %convert_element_type3A_3, %dot_general3A_334 {dimension_numbers = #tpu.dot_dimension_numbers<[0], [0], [1], [1], [0, 1, 1, 1], [], []>, transpose_lhs_hint = false} : vector<20x128xf32>, vector<20x400xf32>, vector<128x400xf32> -> vector<128x400xf32>
    %swap3A_336 = arith.constant 30 : index
    %swap3A_337 = arith.constant 0 : index
    %swap3A_338 = arith.constant 0 : index
    %swap3A_339 = vector.load %arg2[%swap3A_336, %swap3A_337, %swap3A_338] : memref<32x128x400xf32, #tpu.memory_space<vmem>>, vector<1x128x400xf32>
    %swap3A_340 = vector.shape_cast %swap3A_339 : vector<1x128x400xf32> to vector<128x400xf32>
    %swap3A_341 = vector.shape_cast %dot_general3A_335 : vector<128x400xf32> to vector<1x128x400xf32>
    tpu.vector_store %arg2[%swap3A_336, %swap3A_337, %swap3A_338], %swap3A_341 {strides = array<i32>} : memref<32x128x400xf32, #tpu.memory_space<vmem>>, vector<1x128x400xf32>,
    %get3A_342 = arith.constant 620 : index
    %get3A_343 = arith.constant 0 : index
    %get3A_344 = vector.load %arg1[%get3A_342, %get3A_343] : memref<640x128xf32, #tpu.memory_space<vmem>>, vector<20x128xf32>
    %dot_general3A_345 = arith.constant dense<0.000000e+00> : vector<128x400xf32>
    %dot_general3A_346 = tpu.matmul %get3A_344, %convert_element_type3A_3, %dot_general3A_345 {dimension_numbers = #tpu.dot_dimension_numbers<[0], [0], [1], [1], [0, 1, 1, 1], [], []>, transpose_lhs_hint = false} : vector<20x128xf32>, vector<20x400xf32>, vector<128x400xf32> -> vector<128x400xf32>
    %swap3A_347 = arith.constant 31 : index
    %swap3A_348 = arith.constant 0 : index
    %swap3A_349 = arith.constant 0 : index
    %swap3A_350 = vector.load %arg2[%swap3A_347, %swap3A_348, %swap3A_349] : memref<32x128x400xf32, #tpu.memory_space<vmem>>, vector<1x128x400xf32>
    %swap3A_351 = vector.shape_cast %swap3A_350 : vector<1x128x400xf32> to vector<128x400xf32>
    %swap3A_352 = vector.shape_cast %dot_general3A_346 : vector<128x400xf32> to vector<1x128x400xf32>
    tpu.vector_store %arg2[%swap3A_347, %swap3A_348, %swap3A_349], %swap3A_352 {strides = array<i32>} : memref<32x128x400xf32, #tpu.memory_space<vmem>>, vector<1x128x400xf32>,
    return
  }
  func.func @transform_0(%arg0: i32) -> (i32, i32) {
    %c0_i32 = arith.constant 0 : i32
    %c0_i32_0 = arith.constant 0 : i32
    return %arg0, %c0_i32 : i32, i32
  }
  func.func @transform_1(%arg0: i32) -> (i32, i32, i32) {
    %c0_i32 = arith.constant 0 : i32
    %c0_i32_0 = arith.constant 0 : i32
    %c0_i32_1 = arith.constant 0 : i32
    return %arg0, %c0_i32, %c0_i32_0 : i32, i32, i32
  }
}

</mosaic_0001>

<sc_bundles>
// kernel: kernel.4.cloned.1.call-start
scs
__scs_entry_jumppad:
0x0: {  	(pc) =	sbr.rel $0x88, $3  }
0x1: {  	(tag) =	ssettag $0x0;
	lr =	simm.s32 $0x1  }
0x2: {  	[smem:$0x3F9F] =	sst lr;
	_ =	strace $0xD0000000  }
0x3: {  	_ = 	snop  }
0x4: {  	_ = 	snop  }
0x5: {  	_ = 	snop  }
0x6: {  	_ = 	snop  }
0x7: {  	_ = 	snop  }
__scs_overlays_trampoline_lowered:
0x8: {  	[smem:$0x3FAE] =	sst s0  }
0x9: {  	[smem:$0x3FAF] =	sst s1  }
0xa: {  	[smem:$0x3FB0] =	sst s2  }
0xb: {  	[smem:$0x3FB1] =	sst s3  }
0xc: {  	[smem:$0x3FB2] =	sst s4  }
0xd: {  	[smem:$0x3FB3] =	sst s5  }
0xe: {  	[smem:$0x3FB4] =	sst s6  }
0xf: {  	[smem:$0x3FB5] =	sst s7  }
0x10: {  	[smem:$0x3FB6] =	sst s8  }
0x11: {  	[smem:$0x3FB7] =	sst s9;
	s0 =	simm.s32 @!p0 $0x0  }
0x12: {  	s1 =	sld [smem:$0x3F9D];
	s0 =	simm.s32 @p0 $0x1  }
0x13: {  	[smem:$0x3FB8] =	sst s0;
	s0 =	simm.s32 @!p1 $0x0  }
0x14: {  	s2 =	sld [smem:$0x3F9C];
	s0 =	simm.s32 @p1 $0x1  }
0x15: {  	[smem:$0x3FB9] =	sst s0;
	s0 =	simm.s32 @!p2 $0x0  }
0x16: {  	s3 =	sld [smem:$0x3FDB];
	s0 =	simm.s32 @p2 $0x1  }
0x17: {  	s4 =	simm.s32 $0x1BF5;
	[smem:$0x3FBB] =	sst s0  }
0x18: {  	s0 =	sld [smem:$0x3F9E];
	_ =	swait.ge [sflag:s4], $0x0  }
0x19: {  	s7 =	sld [smem:$0x3F9F]  }
0x1a: {  	s8 =	sadd.s32 $0xFFFFE003, lr  }
0x1b: {  	s9 =	sadd.s32 $0xFFFFFEF7, lr;
	s5 =	simm.s32 $0xFFFFFFFF;
	p2 =	slt.u32 s8, $0xFFFFF086  }
0x1c: {  	p1 =	slt.u32 s9, $0xF7A;
	s5 =	simm.s32 @!p2 $0x0  }
0x1d: {  	s5 =	simm.s32 @p1 $0x1;
	p0 =	seq.s32 s7, s2  }
0x1e: {  	s7 =	smul.u32 @!p0 $0xF7A, s2;
	p2 =	seq.s32 @!p0 s5, $0x0  }
0x1f: {  	s9 =	smul.u32 $0xF7A, s1;
	s8 =	simm.s32 @!p0 $0x1BF5;
	p2 =	por !p2, p0  }
0x20: {  	[sflag:s8] =	ssyncset.s32 @!p0 $0xFFFFF086;
	s6 =	sadd.s32 @!p0 s3, s7;
	s7 =	simm.s32 @!p0 $0x108  }
0x21: {  	s3 =	sadd.s32 s3, s9;
	s6 =	sadd.s32 @!p0 $0x88, s6;
	s7 =	simm.s32 @p2 $0x1082  }
0x22: {  	[simem:s7], [sflag:s8] =	dma.local @!p0 [hbm:s6], $0xF7A  }
0x23: {  	s9 =	sor.u32 $0xD0000000, s2;
	s6 =	simm.s32 $0x108;
	_ =	swait.ge @!p0 [sflag:s8], $0x0  }
0x24: {  	s3 =	sadd.s32 $0x88, s3;
	s6 =	simm.s32 @!p1 $0x1082;
	[sflag:s4] =	ssyncset.s32 $0xFFFFF086  }
0x25: {  	[simem:s6], [sflag:s4] =	dma.local [hbm:s3], $0xF7A  }
0x26: {  	[smem:$0x3F9F] =	sst s1;
	(tag) =	ssettag s2;
	_ =	strace s9  }
0x27: {  	s1 =	sld [smem:$0x3FAF]  }
0x28: {  	s2 =	sld [smem:$0x3FB0]  }
0x29: {  	s4 =	sld [smem:$0x3FB2]  }
0x2a: {  	p0 =	seq.s32 s5, $0x0;
	s5 =	sld [smem:$0x3FB3]  }
0x2b: {  	s6 =	sld [smem:$0x3FB4]  }
0x2c: {  	s7 =	sld [smem:$0x3FB5]  }
0x2d: {  	s3 =	simm.s32 $0x108;
	s8 =	sld [smem:$0x3FB6]  }
0x2e: {  	s3 =	simm.s32 @!p0 $0x1082;
	s9 =	sld [smem:$0x3FB7]  }
0x2f: {  	lr =	sadd.s32 s0, s3;
	s0 =	sld [smem:$0x3FAE]  }
0x30: {  	s3 =	sld [smem:$0x3FB1]  }
0x31: {  	[smem:$0x3FBA] =	sst s10  }
0x32: {  	s10 =	sld [smem:$0x3FB8];
	_ =	sdelay $0x3  }
0x33: {  	p0 =	seq.s32 s10, $0x1;
	s10 =	sld [smem:$0x3FBA];
	_ =	sdelay $0x3  }
0x34: {  	[smem:$0x3FBA] =	sst s10  }
0x35: {  	s10 =	sld [smem:$0x3FB9];
	_ =	sdelay $0x3  }
0x36: {  	p1 =	seq.s32 s10, $0x1;
	s10 =	sld [smem:$0x3FBA];
	_ =	sdelay $0x3  }
0x37: {  	[smem:$0x3FBA] =	sst s10  }
0x38: {  	s10 =	sld [smem:$0x3FBB]  }
0x39: {  	_ = 	snop;
	(pc) =	sbr.ind lr, $3  }
0x3a: {  	_ = 	snop  }
0x3b: {  	_ = 	snop  }
0x3c: {  	p2 =	seq.s32 s10, $0x1;
	s10 =	sld [smem:$0x3FBA]  }
0x3d: {  	_ =	shalt  }
0x3e: {  	_ =	shalt  }
0x3f: {  	_ =	shalt  }
0x40: {  	_ =	shalt  }
0x41: {  	_ =	shalt  }
0x42: {  	_ =	shalt  }
0x43: {  	_ =	shalt  }
0x44: {  	_ =	shalt  }
0x45: {  	_ =	shalt  }
0x46: {  	_ =	shalt  }
0x47: {  	_ =	shalt  }
0x48: {  	_ =	shalt  }
0x49: {  	_ =	shalt  }
0x4a: {  	_ =	shalt  }
0x4b: {  	_ =	shalt  }
0x4c: {  	_ =	shalt  }
0x4d: {  	_ =	shalt  }
0x4e: {  	_ =	shalt  }
0x4f: {  	_ =	shalt  }
0x50: {  	_ =	shalt  }
0x51: {  	_ =	shalt  }
0x52: {  	_ =	shalt  }
0x53: {  	_ =	shalt  }
0x54: {  	_ =	shalt  }
0x55: {  	_ =	shalt  }
0x56: {  	_ =	shalt  }
0x57: {  	_ =	shalt  }
0x58: {  	_ =	shalt  }
0x59: {  	_ =	shalt  }
0x5a: {  	_ =	shalt  }
0x5b: {  	_ =	shalt  }
0x5c: {  	_ =	shalt  }
0x5d: {  	_ =	shalt  }
0x5e: {  	_ =	shalt  }
0x5f: {  	_ =	shalt  }
0x60: {  	_ =	shalt  }
0x61: {  	_ =	shalt  }
0x62: {  	_ =	shalt  }
0x63: {  	_ =	shalt  }
0x64: {  	_ =	shalt  }
0x65: {  	_ =	shalt  }
0x66: {  	_ =	shalt  }
0x67: {  	_ =	shalt  }
0x68: {  	_ =	shalt  }
0x69: {  	_ =	shalt  }
0x6a: {  	_ =	shalt  }
0x6b: {  	_ =	shalt  }
0x6c: {  	_ =	shalt  }
0x6d: {  	_ =	shalt  }
0x6e: {  	_ =	shalt  }
0x6f: {  	_ =	shalt  }
0x70: {  	_ =	shalt  }
0x71: {  	_ =	shalt  }
0x72: {  	_ =	shalt  }
0x73: {  	_ =	shalt  }
0x74: {  	_ =	shalt  }
0x75: {  	_ =	shalt  }
0x76: {  	_ =	shalt  }
0x77: {  	_ =	shalt  }
0x78: {  	_ =	shalt  }
0x79: {  	_ =	shalt  }
0x7a: {  	_ =	shalt  }
0x7b: {  	_ =	shalt  }
0x7c: {  	_ =	shalt  }
0x7d: {  	_ =	shalt  }
0x7e: {  	_ =	shalt  }
0x7f: {  	_ =	shalt  }
0x80: {  	_ =	shalt  }
0x81: {  	_ =	shalt  }
0x82: {  	_ =	shalt  }
0x83: {  	_ =	shalt  }
0x84: {  	_ =	shalt  }
0x85: {  	_ =	shalt  }
0x86: {  	_ =	shalt  }
0x87: {  	_ =	shalt  }
.Lfunc_end0:
.L_simem_size_0:
called_computation_lowered:
.L_overlay_start_0:
0x88: {  	s2 =	sld [smem:$0x3FD9]  }
0x89: {  	s3 =	sld [smem:$0x3FFE];
	_ =	sdelay $0x1  }
0x8a: {  	s1 =	srdreg.scid  }
0x8b: {  	s0 =	sand.u32 $0x1, s1  }
0x8c: {  	s17 =	sshll.u32 s0, $0xA;
	s2 =	sadd.s32 s3, s2  }
0x8d: {  	s2 =	sadd.s32 s2, s17  }
0x8e: {  	[smem:$0x3FC6] =	sst s2  }
0x8f: {  	_ = 	snop  }
0x90: {  	s2 =	sld [smem:$0x3FC8]  }
0x91: {  	s18 =	sld [smem:$0x3FD0];
	(tm) =	ssettm $0x1  }
0x92: {  	s4 =	sld [smem:$0x3FFB];
	_ =	sdelay $0x3  }
0x93: {  	_ =	strace s4  }
0x94: {  	s4 =	sld [smem:$0x3FFC];
	_ =	sdelay $0x3  }
0x95: {  	_ =	strace s4  }
0x96: {  	s4 =	sld [smem:$0x3FFD];
	_ =	sdelay $0x3  }
0x97: {  	_ =	strace s4  }
0x98: {  	_ =	strace $0x8FFFFFFF  }
0x99: {  	s19 =	sld [smem:$0x3FDB];
	_ =	sdelay $0x1  }
0x9a: {  	s5 =	simm.s32 $_scs_section_size  }
0x9b: {  	s6 =	simm.s32 $_size__tile_overlayer_lowered;
	s7 =	simm.s32 $_tile_overlayer_lowered  }
0x9c: {  	s22 =	simm.s32 $0x1BFF;
	s21 =	sshll.u32 s7, $0x1;
	s4 =	sadd.s32 s5, s19  }
0x9d: {  	s8 =	simm.s32 $0x0;
	s20 =	sshll.u32 s6, $0x1;
	s6 =	sadd.s32 s21, s4  }
0x9e: {  	[timem:s8], [sflag:s22] =	dma.local [hbm:s6], s20  }
0x9f: {  	_ =	swait.ge [sflag:s22], s20  }
0xa0: {  	s5 =	ssub.s32 $0x0, s20;
	[sflag:s22] =	ssyncset.done $0x0  }
0xa1: {  	[sflag:s22] =	ssyncadd.s32 s5;
	_ =	sdelay $0x1  }
0xa2: {  	s23 =	simm.s32 $0x1B8B  }
0xa3: {  	_ =	swait.ge [sflag:s23], $0x1  }
0xa4: {  	[sflag:s23] =	ssyncset.done $0x0  }
0xa5: {  	s25 =	simm.s32 $0x1B8E;
	s24 =	sld [smem:$0x3FFE];
	[sflag:s23] =	ssyncadd.s32 $0xFFFFFFFF  }
0xa6: {  	s26 =	simm.s32 $execute0_lowered;
	[smem:$0x3FD2] =	sst s25  }
0xa7: {  	s6 =	sshll.u32 s26, $0x1;
	_ =	strace $0x80000046;
	[dreg:$0x1] =	wrdreg $0xFFFFFFFF  }
0xa8: {  	s28 =	simm.s32 $_size_execute0_lowered;
	s4 =	sadd.s32 s4, s6;
	[dreg:$0x0] =	wrdreg $0x0  }
0xa9: {  	s6 =	sshll.u32 s28, $0x1;
	[dreg:$0x2] =	wrdreg s4  }
0xaa: {  	[dreg:$0x3] =	wrdreg s6  }
0xab: {  	[dreg:$0x4] =	wrdreg $0xC0  }
0xac: {  	_ =	task [dreg:s8], $0x5FFFF  }
0xad: {  	[dreg:$0x1] =	wrdreg $0xFFFFFFFF  }
0xae: {  	[dreg:$0x0] =	wrdreg $0x60  }
0xaf: {  	[dreg:$0x2] =	wrdreg s24  }
0xb0: {  	[dreg:$0x3] =	wrdreg s2  }
0xb1: {  	[dreg:$0x4] =	wrdreg s18  }
0xb2: {  	[dreg:$0x5] =	wrdreg $0x9  }
0xb3: {  	_ =	task.clear_ibuf [dreg:s8], $0x6FFFF;
	_ =	strace $0x90000046  }
0xb4: {  	s29 =	simm.s32 $0x9;
	_ =	strace $0x80000048  }
0xb5: {  	_ =	swait.ge [sflag:s29], $0x1  }
0xb6: {  	[sflag:s29] =	ssyncadd.s32 $0xFFFFFFFF  }
0xb7: {  	_ =	strace $0x90000048  }
0xb8: {  	_ =	sfence  }
0xb9: {  	s30 =	sld [smem:$0x0];
	_ =	sdelay $0x2  }
0xba: {  	s31 =	sshll.u32 s1, $0xD;
	s1 =	sshrl.u32 s1, $0x2  }
0xbb: {  	s3 =	sand.u32 $0x4000, s31;
	s1 =	sadd.s32 s1, s30  }
0xbc: {  	s0 =	sor.u32 s3, s0;
	s1 =	sshll.u32 s1, $0x11  }
0xbd: {  	s0 =	sor.u32 s1, s0  }
0xbe: {  	s0 =	sadd.s32 $0x8F2B, s0  }
0xbf: {  	[sflag:s0] =	ssyncadd.remote.s32 $0x1  }
0xc0: {  	_ =	sfence.sel $0xFFFF  }
0xc1: {  	[dreg:$0x0] =	wrdreg $0xFFFFFFFF;
	(pc) =	sbr.abs _section_cstart, $3  }
0xc2: {  	[dreg:$0x1] =	wrdreg $0xFFFFFFFF  }
0xc3: {  	_ =	task.clear_ibuf [dreg:s8], $0x2FFFF;
	_ =	strace $0x9FFFFFFF  }
0xc4: {  	(tm) =	ssettm $0x7FFFFFFF  }
0xc5: {  	_ =	shalt  }
tec
execute0_lowered:
.L_overlay_start_1:
0x0: {  	(tag) =	ssettag $0x1  }
0x1: {  	s1 =	srdreg.scid;
	s0 =	stileid.u32  }
0x2: {  	s4 =	rddreg [dreg:$0x0];
	s6 =	sand.u32 $0x1, s1;
	s31 =	sshll.u32 s0, $0x1  }
0x3: {  	s2 =	rddreg [dreg:$0x1];
	s7 =	sor.u32 s6, s31  }
0x4: {  	s8 =	rddreg [dreg:$0x2];
	s3 =	simm.s32 $0x0;
	s5 =	smul.u32 $0x50, s7  }
0x5: {  	[smem:$0x7FF] =	sst s3  }
0x6: {  	s1 =	rddreg [dreg:$0x3];
	_ =	strace $0x80000047;
	s4 =	sadd.s32 s5, s4  }
0x7: {  	s9 =	ssub.s32 $0x2, s6;
	s5 =	simm.s32 $0x1;
	s4 =	sadd.s32 $0x600, s4  }
0x8: {  	[tilespmem:s3], [sflag:$0x1] =	stream.linear.gather [hbm4b:s4+s3], $0x280, $0x38;
	[tilespmem:$0x14280] =	vst v63  }
0x9: {  	s10 =	sshrl.u32 s9, $0x1;
	_ =	swait.ge [sflag:s5], $0x280  }
0xa: {  	s9 =	ssub.s32 s9, s10;
	[sflag:s5] =	ssyncset.done $0x0  }
0xb: {  	s6 =	simm.s32 $0x280;
	s9 =	smax.u32 s9, $0x1;
	[sflag:s5] =	ssyncadd.s32 $0xFFFFFD80  }
0xc: {  	[tilespmem:s6], [sflag:$0x1] =	stream.indirect.gather [hbm4b:s2+s6], $0x80, s3, s6, $0xb8;
	[tilespmem:$0x14280] =	vst v63  }
0xd: {  	s7 =	smul.u32 $0x2800, s7;
	p0 =	sne.s32 s9, $0x1;
	_ =	swait.ge [sflag:s5], $0x14000  }
.Ltmp0:
0xe: {  	[sflag:s5] =	ssyncset.done $0x0;
	(pc) =	sbr.rel @!p0 .LBB2_2-.Ltmp0, $4  }
0xf: {  	s7 =	sadd.s32 s8, s7;
	s8 =	simm.s32 $0x2;
	[sflag:s5] =	ssyncadd.s32 $0xFFFEC000  }
0x10: {  	[hbm4b:s7+s3] =	stream.linear.scatter [tilespmem:s6], [sflag:$0x2], $0x14000, $0x38;
	[tilespmem:$0x14280] =	vst v63  }
0x11: {  	_ =	swait.ge [sflag:s8], $0x14000  }
0x12: {  	s9 =	sadd.s32 $0xFFFFFFFF, s9;
	[sflag:s8] =	ssyncset.done $0x0  }
.LBB2_1:
0x13: {  	p0 =	sne.s32 s9, $0x1;
	s9 =	sadd.s32 $0xFFFFFFFF, s9;
	[sflag:s8] =	ssyncadd.s32 $0xFFFEC000  }
0x14: {  	[tilespmem:s3], [sflag:$0x1] =	stream.linear.gather [hbm4b:s4+s3], $0x280, $0x38;
	[tilespmem:$0x14280] =	vst v63  }
0x15: {  	_ =	swait.ge [sflag:s5], $0x280  }
0x16: {  	[sflag:s5] =	ssyncset.done $0x0  }
0x17: {  	[sflag:s5] =	ssyncadd.s32 $0xFFFFFD80  }
0x18: {  	[tilespmem:s6], [sflag:$0x1] =	stream.indirect.gather [hbm4b:s2+s6], $0x80, s3, s6, $0xb8;
	[tilespmem:$0x14280] =	vst v63  }
0x19: {  	_ =	swait.ge [sflag:s5], $0x14000  }
.Ltmp1:
0x1a: {  	[sflag:s5] =	ssyncset.done $0x0;
	(pc) =	sbr.rel @p0 .LBB2_1-.Ltmp1, $4  }
0x1b: {  	[sflag:s5] =	ssyncadd.s32 $0xFFFEC000  }
0x1c: {  	[hbm4b:s7+s3] =	stream.linear.scatter [tilespmem:s6], [sflag:$0x2], $0x14000, $0x38;
	[tilespmem:$0x14280] =	vst v63  }
0x1d: {  	_ =	swait.ge [sflag:s8], $0x14000  }
0x1e: {  	[sflag:s8] =	ssyncset.done $0x0  }
.LBB2_2:
0x1f: {  	[sflag:s8] =	ssyncadd.s32 $0xFFFEC000  }
0x20: {  	_ =	sfence.sel $0x180000  }
0x21: {  	[bflag:$0x0] =	sbarrier.arrive $0xFFFF  }
0x22: {  	p0 =	sne.s32 s0, $0x0;
	_ =	strace $0x90000047  }
0x23: {  	s0 =	sadd.s32 @!p0 $0x100000, s1;
	[bflag:$0x2] =	sbarrier.arrive $0xFFFF  }
0x24: {  	[sflag:s0] =	ssyncadd.tile.s32 @!p0 $0x1;
	_ =	shalt  }
.Lfunc_end2:
_tile_overlayer_lowered:
.L_overlay_start_2:
0x25: {  	(tag) =	ssettag $0x2  }
0x26: {  	s0 =	rddreg [dreg:$0x0];
	s2 =	stileid.u32  }
0x27: {  	s1 =	rddreg [dreg:$0x1];
	p0 =	sne.s32 s2, $0x0  }
0x28: {  	s3 =	rddreg [dreg:$0x2];
	[bflag:$0x3] =	sbarrier.arrive $0xFFFF;
	s2 =	simm.s32 @!p0 $0x1C03  }
0x29: {  	[timem:s3], [sflag:s2] =	dma.local @!p0 [hbm:s0], s1  }
0x2a: {  	s0 =	simm.s32 @!p0 $0x3  }
0x2b: {  	_ =	swait.ge @!p0 [sflag:s0], s1  }
0x2c: {  	s1 =	ssub.s32 @!p0 $0x0, s1;
	[sflag:s0] =	ssyncset.done @!p0 $0x0  }
0x2d: {  	[sflag:s0] =	ssyncadd.s32 @!p0 s1  }
0x2e: {  	[bflag:$0x3] =	sbarrier.arrive $0xFFFF  }
0x2f: {  	_ =	shalt  }

</sc_bundles>
